<compile_context>
chip_gen: v7x
topology: tpu7x:2x2x1
jax: 0.10.2.dev20260603
libtpu: 0.0.44.dev20260713+nightly
codegen_flags: <defaults>
</compile_context>

<pallas_src>
import functools

import jax
import jax.numpy as jnp
from jax import lax
from jax.experimental import pallas as pl
from jax.experimental.pallas import tpu as pltpu
from jax.experimental.pallas import tpu_sc as plsc

_DIM = 4096
_LEVELS = 256
_B = 4
_T = 8
_HW = 1024
_BT = _B * _T
_LANES = 16
_MAGIC = 12582912.0


def _sc_histogram(flat):
    mesh = plsc.VectorSubcoreMesh(core_axis_name="c", subcore_axis_name="s")

    @functools.partial(
        pl.kernel,
        mesh=mesh,
        out_type=jax.ShapeDtypeStruct((_BT, _LEVELS), jnp.float32),
        scratch_types=[
            pltpu.VMEM((_HW,), jnp.float32),
            pltpu.VMEM((_LEVELS,), jnp.float32),
        ],
        compiler_params=pltpu.CompilerParams(needs_layout_passes=False),
    )
    def hist_kernel(flat_hbm, out_hbm, row_v, hist_v):
        wid = lax.axis_index("s") * 2 + lax.axis_index("c")
        pltpu.sync_copy(flat_hbm.at[wid], row_v)

        zeros16 = jnp.zeros((_LANES,), jnp.float32)

        def zero_body(i, carry):
            hist_v[pl.ds(i * _LANES, _LANES)] = zeros16
            return carry

        lax.fori_loop(0, _LEVELS // _LANES, zero_body, 0)

        def max_body(i, m):
            return jnp.maximum(m, row_v[pl.ds(i * _LANES, _LANES)])

        m16 = lax.fori_loop(0, _HW // _LANES, max_body, zeros16)
        mx = m16[0]
        for lane in range(1, _LANES):
            mx = jnp.maximum(mx, m16[lane])
        mx16 = jnp.broadcast_to(mx, (_LANES,))

        ones16 = jnp.ones((_LANES,), jnp.float32)

        def hist_body(i, carry):
            x = row_v[pl.ds(i * _LANES, _LANES)]
            r = ((x / mx16) * (_LEVELS - 1.0) + _MAGIC) - _MAGIC
            r = jnp.clip(r, 0.0, _LEVELS - 1.0)
            plsc.addupdate_scatter(hist_v, [r.astype(jnp.int32)], ones16)
            return carry

        lax.fori_loop(0, _HW // _LANES, hist_body, 0)
        pltpu.sync_copy(hist_v, out_hbm.at[wid])

    return hist_kernel(flat)


def _tc_kernel(counts_ref, sw_ref, tw_ref, out_ref):
    counts = counts_ref[...]
    c_hi = jnp.floor(counts * (1.0 / 16.0))
    c_lo = counts - c_hi * 16.0
    sw = sw_ref[...].astype(jnp.bfloat16)
    dot = lambda a: jax.lax.dot_general(
        a.astype(jnp.bfloat16), sw,
        (((1,), (0,)), ((), ())),
        preferred_element_type=jnp.float32)
    w = dot(c_hi) * 16.0 + dot(c_lo)

    tw = tw_ref[...]
    m = w * jnp.concatenate([tw] * _B, axis=0)
    rows = [jnp.sum(m[b * _T:(b + 1) * _T, :], axis=0, keepdims=True)
            for b in range(_B)]
    out_ref[...] = jnp.sign(jnp.concatenate(rows, axis=0))


def kernel(data, spatial_weight, temporal_weight):
    b, t, c, h, w = data.shape
    flat = data.reshape(b * t, c * h * w)
    counts = _sc_histogram(flat)
    return pl.pallas_call(
        _tc_kernel,
        grid=(1,),
        out_shape=jax.ShapeDtypeStruct((b, _DIM), jnp.float32),
        in_specs=[
            pl.BlockSpec((_BT, _LEVELS), lambda i: (0, 0)),
            pl.BlockSpec((_LEVELS, _DIM), lambda i: (0, 0)),
            pl.BlockSpec((t, _DIM), lambda i: (0, 0)),
        ],
        out_specs=pl.BlockSpec((b, _DIM), lambda i: (0, 0)),
    )(counts, spatial_weight, temporal_weight)

# --- scband reference (transcript-rebuilt; emitter-appended) ---
"""Pipeline reference for scband-encoding2-65128884076666 (READ-ONLY COPY).

The authoritative reference and input builder live on the scoring server;
editing this copy changes nothing except your own understanding.
"""

import jax, jax.numpy as jnp
import numpy as np

DIM = 4096
MAX_TIME = 16
HEIGHT = 32
WIDTH = 32
NUM_LEVELS = 256


def setup_inputs(seed: int = 0) -> dict:
    key = jax.random.key(seed)
    k1, k2, k3 = jax.random.split(key, 3)
    # data: [batch, time_bins, channels, height, width], positive so max-normalization is safe
    data = jax.random.uniform(k1, (4, 8, 1, HEIGHT, WIDTH), dtype=jnp.float32)
    # torchhd.embeddings.Random with vsa='MAP' -> fixed random bipolar (+1/-1) hypervectors
    spatial_weight = jnp.sign(jax.random.normal(k2, (HEIGHT * WIDTH, DIM), dtype=jnp.float32))
    temporal_weight = jnp.sign(jax.random.normal(k3, (MAX_TIME, DIM), dtype=jnp.float32))
    return {"data": data, "spatial_weight": spatial_weight, "temporal_weight": temporal_weight}


def reference(data, spatial_weight, temporal_weight):
    b, t, c, h, w = data.shape
    # data.flatten(3).flatten(2) -> [b, t, c*h*w]
    flat = data.reshape(b, t, c * h * w)
    flat = flat / jnp.max(flat, axis=-1, keepdims=True) * (NUM_LEVELS - 1)
    indices = jnp.clip(jnp.round(flat).astype(jnp.int32), 0, NUM_LEVELS - 1)
    hvs = []
    for ti in range(min(t, MAX_TIME)):
        temporal_hv = temporal_weight[ti:ti + 1]  # [1, DIM], like temporal(t_tensor)
        # embedding lookup: [b, c*h*w, DIM]
        spatial_hv = jnp.take(spatial_weight, indices[:, ti], axis=0)
        # multiset = sum over dim -2 -> [b, DIM]
        spatial_hv = jnp.sum(spatial_hv, axis=-2)
        # MAP bind = elementwise multiply (broadcast over batch)
        combined = spatial_hv * temporal_hv
        hvs.append(combined)
    # stack -> [b, T, DIM]; multiset over time -> [b, DIM]
    hv = jnp.sum(jnp.stack(hvs, axis=1), axis=-2)
    # MAP normalize = sign
    return jnp.sign(hv)

if __name__ == "__main__":
    import jax
    _d = setup_inputs()
    print(jax.jit(kernel)(*tuple(_d.values())))

</pallas_src>

<mosaic_0001>
#map = affine_map<(d0, d1) -> (0, 0)>
module attributes {stable_mosaic.version = 14 : i64} {
  func.func @hist_kernel(%arg0: i32, %arg1: i32, %arg2: memref<32x1024xf32, #tpu.memory_space<hbm>>, %arg3: memref<32x256xf32, #tpu.memory_space<hbm>>, %arg4: memref<1024xf32, #tpu.memory_space<vmem>>, %arg5: memref<256xf32, #tpu.memory_space<vmem>>) attributes {dimension_semantics = [#tpu.dimension_semantics<core_parallel>, #tpu.dimension_semantics<subcore_parallel>], iteration_bounds = array<i64: 2, 16>, scalar_prefetch = 0 : i64, scratch_operands = 2 : i64, tpu.core_type = #tpu.core_type<sc_vector_subcore>, window_params = [{transform_indices = #map}, {transform_indices = #map}]} {
    %mul3A = arith.constant 2 : i32
    %mul3A_0 = arith.muli %arg1, %mul3A : i32
    %add3A = arith.addi %mul3A_0, %arg0 : i32
    "tpu.region"() ({
      %run_scoped3A = tpu.sem_alloc : memref<!tpu.dma_semaphore, #tpu.memory_space<semaphore_mem>>
      %dma_start3A = arith.constant 0 : i32
      %dma_start3A_66 = tpu.memref_slice %arg2[%add3A, %dma_start3A] : memref<32x1024xf32, #tpu.memory_space<hbm>> -> memref<1x1024xf32, #tpu.memory_space<hbm>>
      %dma_start3A_67 = tpu.memref_squeeze %dma_start3A_66 : memref<1x1024xf32, #tpu.memory_space<hbm>> -> memref<1024xf32, #tpu.memory_space<hbm>>
      %dma_start3A_68 = arith.constant 0 : i32
      %dma_start3A_69 = tpu.memref_slice %arg2[%add3A, %dma_start3A_68] : memref<32x1024xf32, #tpu.memory_space<hbm>> -> memref<1x1024xf32, #tpu.memory_space<hbm>>
      %dma_start3A_70 = tpu.memref_squeeze %dma_start3A_69 : memref<1x1024xf32, #tpu.memory_space<hbm>> -> memref<1024xf32, #tpu.memory_space<hbm>>
      tpu.enqueue_dma source(%dma_start3A_70 : memref<1024xf32, #tpu.memory_space<hbm>>) target(%arg4 : memref<1024xf32, #tpu.memory_space<vmem>>) target_semaphore(%run_scoped3A : memref<!tpu.dma_semaphore, #tpu.memory_space<semaphore_mem>>)
      %dma_wait3A = arith.constant 0 : i32
      %dma_wait3A_71 = tpu.memref_slice %arg2[%add3A, %dma_wait3A] : memref<32x1024xf32, #tpu.memory_space<hbm>> -> memref<1x1024xf32, #tpu.memory_space<hbm>>
      %dma_wait3A_72 = tpu.memref_squeeze %dma_wait3A_71 : memref<1x1024xf32, #tpu.memory_space<hbm>> -> memref<1024xf32, #tpu.memory_space<hbm>>
      %dma_wait3A_73 = arith.constant 0 : i32
      %dma_wait3A_74 = tpu.memref_slice %arg2[%add3A, %dma_wait3A_73] : memref<32x1024xf32, #tpu.memory_space<hbm>> -> memref<1x1024xf32, #tpu.memory_space<hbm>>
      %dma_wait3A_75 = tpu.memref_squeeze %dma_wait3A_74 : memref<1x1024xf32, #tpu.memory_space<hbm>> -> memref<1024xf32, #tpu.memory_space<hbm>>
      tpu.wait_dma2 semaphore(%run_scoped3A : memref<!tpu.dma_semaphore, #tpu.memory_space<semaphore_mem>>) src(%dma_wait3A_75 : memref<1024xf32, #tpu.memory_space<hbm>>) dst(%arg4 : memref<1024xf32, #tpu.memory_space<vmem>>)
      tpu.yield
    }) : () -> ()
    %broadcast_in_dim3A = arith.constant 0.000000e+00 : f32
    %broadcast_in_dim3A_1 = vector.broadcast %broadcast_in_dim3A : f32 to vector<16xf32>
    %scan3A = arith.constant 0 : i32
    %scan3A_2 = arith.constant 0 : i32
    %scan3A_3 = arith.constant 16 : i32
    %scan3A_4 = arith.addi %scan3A_2, %scan3A_3 : i32
    %scan3A_5 = arith.constant 1 : i32
    scf.for %scan3A_66 = %scan3A_2 to %scan3A_4 step %scan3A_5  : i32 {
      %mul3A_67 = arith.constant 16 : i32
      %mul3A_68 = arith.muli %scan3A_66, %mul3A_67 : i32
      %swap3A = arith.index_cast %mul3A_68 : i32 to index
      %swap3A_69 = tpu.vector_load %arg5[%swap3A] {strides = array<i32>} : memref<256xf32, #tpu.memory_space<vmem>>, vector<16xf32>,
      tpu.vector_store %arg5[%swap3A], %broadcast_in_dim3A_1 {strides = array<i32>} : memref<256xf32, #tpu.memory_space<vmem>>, vector<16xf32>,
    }
    %scan3A_6 = arith.constant 16 : i32
    %scan3A_7 = arith.constant 0 : i32
    %scan3A_8 = arith.constant 64 : i32
    %scan3A_9 = arith.addi %scan3A_7, %scan3A_8 : i32
    %scan3A_10 = arith.constant 1 : i32
    %scan3A_11 = scf.for %scan3A_66 = %scan3A_7 to %scan3A_9 step %scan3A_10 iter_args(%scan3A_67 = %broadcast_in_dim3A_1) -> (vector<16xf32>)  : i32 {
      %mul3A_68 = arith.constant 16 : i32
      %mul3A_69 = arith.muli %scan3A_66, %mul3A_68 : i32
      %get3A = arith.index_cast %mul3A_69 : i32 to index
      %get3A_70 = tpu.vector_load %arg4[%get3A] {strides = array<i32>} : memref<1024xf32, #tpu.memory_space<vmem>>, vector<16xf32>,
      %max3A_71 = arith.maximumf %scan3A_67, %get3A_70 : vector<16xf32>
      scf.yield %max3A_71 : vector<16xf32>
    }
    %scan3A_12 = arith.constant 64 : i32
    %slice3A = vector.extract_strided_slice %scan3A_11 {offsets = [0], sizes = [1], strides = [1]} : vector<16xf32> to vector<1xf32>
    %squeeze3A = vector.extract %slice3A[0] : f32 from vector<1xf32>
    %slice3A_13 = vector.extract_strided_slice %scan3A_11 {offsets = [1], sizes = [1], strides = [1]} : vector<16xf32> to vector<1xf32>
    %squeeze3A_14 = vector.extract %slice3A_13[0] : f32 from vector<1xf32>
    %max3A = arith.maximumf %squeeze3A, %squeeze3A_14 : f32
    %slice3A_15 = vector.extract_strided_slice %scan3A_11 {offsets = [2], sizes = [1], strides = [1]} : vector<16xf32> to vector<1xf32>
    %squeeze3A_16 = vector.extract %slice3A_15[0] : f32 from vector<1xf32>
    %max3A_17 = arith.maximumf %max3A, %squeeze3A_16 : f32
    %slice3A_18 = vector.extract_strided_slice %scan3A_11 {offsets = [3], sizes = [1], strides = [1]} : vector<16xf32> to vector<1xf32>
    %squeeze3A_19 = vector.extract %slice3A_18[0] : f32 from vector<1xf32>
    %max3A_20 = arith.maximumf %max3A_17, %squeeze3A_19 : f32
    %slice3A_21 = vector.extract_strided_slice %scan3A_11 {offsets = [4], sizes = [1], strides = [1]} : vector<16xf32> to vector<1xf32>
    %squeeze3A_22 = vector.extract %slice3A_21[0] : f32 from vector<1xf32>
    %max3A_23 = arith.maximumf %max3A_20, %squeeze3A_22 : f32
    %slice3A_24 = vector.extract_strided_slice %scan3A_11 {offsets = [5], sizes = [1], strides = [1]} : vector<16xf32> to vector<1xf32>
    %squeeze3A_25 = vector.extract %slice3A_24[0] : f32 from vector<1xf32>
    %max3A_26 = arith.maximumf %max3A_23, %squeeze3A_25 : f32
    %slice3A_27 = vector.extract_strided_slice %scan3A_11 {offsets = [6], sizes = [1], strides = [1]} : vector<16xf32> to vector<1xf32>
    %squeeze3A_28 = vector.extract %slice3A_27[0] : f32 from vector<1xf32>
    %max3A_29 = arith.maximumf %max3A_26, %squeeze3A_28 : f32
    %slice3A_30 = vector.extract_strided_slice %scan3A_11 {offsets = [7], sizes = [1], strides = [1]} : vector<16xf32> to vector<1xf32>
    %squeeze3A_31 = vector.extract %slice3A_30[0] : f32 from vector<1xf32>
    %max3A_32 = arith.maximumf %max3A_29, %squeeze3A_31 : f32
    %slice3A_33 = vector.extract_strided_slice %scan3A_11 {offsets = [8], sizes = [1], strides = [1]} : vector<16xf32> to vector<1xf32>
    %squeeze3A_34 = vector.extract %slice3A_33[0] : f32 from vector<1xf32>
    %max3A_35 = arith.maximumf %max3A_32, %squeeze3A_34 : f32
    %slice3A_36 = vector.extract_strided_slice %scan3A_11 {offsets = [9], sizes = [1], strides = [1]} : vector<16xf32> to vector<1xf32>
    %squeeze3A_37 = vector.extract %slice3A_36[0] : f32 from vector<1xf32>
    %max3A_38 = arith.maximumf %max3A_35, %squeeze3A_37 : f32
    %slice3A_39 = vector.extract_strided_slice %scan3A_11 {offsets = [10], sizes = [1], strides = [1]} : vector<16xf32> to vector<1xf32>
    %squeeze3A_40 = vector.extract %slice3A_39[0] : f32 from vector<1xf32>
    %max3A_41 = arith.maximumf %max3A_38, %squeeze3A_40 : f32
    %slice3A_42 = vector.extract_strided_slice %scan3A_11 {offsets = [11], sizes = [1], strides = [1]} : vector<16xf32> to vector<1xf32>
    %squeeze3A_43 = vector.extract %slice3A_42[0] : f32 from vector<1xf32>
    %max3A_44 = arith.maximumf %max3A_41, %squeeze3A_43 : f32
    %slice3A_45 = vector.extract_strided_slice %scan3A_11 {offsets = [12], sizes = [1], strides = [1]} : vector<16xf32> to vector<1xf32>
    %squeeze3A_46 = vector.extract %slice3A_45[0] : f32 from vector<1xf32>
    %max3A_47 = arith.maximumf %max3A_44, %squeeze3A_46 : f32
    %slice3A_48 = vector.extract_strided_slice %scan3A_11 {offsets = [13], sizes = [1], strides = [1]} : vector<16xf32> to vector<1xf32>
    %squeeze3A_49 = vector.extract %slice3A_48[0] : f32 from vector<1xf32>
    %max3A_50 = arith.maximumf %max3A_47, %squeeze3A_49 : f32
    %slice3A_51 = vector.extract_strided_slice %scan3A_11 {offsets = [14], sizes = [1], strides = [1]} : vector<16xf32> to vector<1xf32>
    %squeeze3A_52 = vector.extract %slice3A_51[0] : f32 from vector<1xf32>
    %max3A_53 = arith.maximumf %max3A_50, %squeeze3A_52 : f32
    %slice3A_54 = vector.extract_strided_slice %scan3A_11 {offsets = [15], sizes = [1], strides = [1]} : vector<16xf32> to vector<1xf32>
    %squeeze3A_55 = vector.extract %slice3A_54[0] : f32 from vector<1xf32>
    %max3A_56 = arith.maximumf %max3A_53, %squeeze3A_55 : f32
    %broadcast_in_dim3A_57 = vector.broadcast %max3A_56 : f32 to vector<16xf32>
    %broadcast_in_dim3A_58 = arith.constant 1.000000e+00 : f32
    %broadcast_in_dim3A_59 = vector.broadcast %broadcast_in_dim3A_58 : f32 to vector<16xf32>
    %scan3A_60 = arith.constant 0 : i32
    %scan3A_61 = arith.constant 0 : i32
    %scan3A_62 = arith.constant 64 : i32
    %scan3A_63 = arith.addi %scan3A_61, %scan3A_62 : i32
    %scan3A_64 = arith.constant 1 : i32
    scf.for %scan3A_66 = %scan3A_61 to %scan3A_63 step %scan3A_64  : i32 {
      %mul3A_67 = arith.constant 16 : i32
      %mul3A_68 = arith.muli %scan3A_66, %mul3A_67 : i32
      %get3A = arith.index_cast %mul3A_68 : i32 to index
      %get3A_69 = tpu.vector_load %arg4[%get3A] {strides = array<i32>} : memref<1024xf32, #tpu.memory_space<vmem>>, vector<16xf32>,
      %div3A = arith.divf %get3A_69, %broadcast_in_dim3A_57 : vector<16xf32>
      %mul3A_70 = arith.constant 2.550000e+02 : f32
      %mul3A_71 = vector.broadcast %mul3A_70 : f32 to vector<16xf32>
      %mul3A_72 = arith.mulf %div3A, %mul3A_71 : vector<16xf32>
      %add3A_73 = arith.constant 0x4B400000 : f32
      %add3A_74 = vector.broadcast %add3A_73 : f32 to vector<16xf32>
      %add3A_75 = arith.addf %mul3A_72, %add3A_74 : vector<16xf32>
      %sub3A = arith.constant 0x4B400000 : f32
      %sub3A_76 = vector.broadcast %sub3A : f32 to vector<16xf32>
      %sub3A_77 = arith.subf %add3A_75, %sub3A_76 : vector<16xf32>
      %jit3A = arith.constant 0.000000e+00 : f32
      %jit3A_78 = arith.constant 2.550000e+02 : f32
      %max3A_79 = vector.broadcast %jit3A : f32 to vector<16xf32>
      %max3A_80 = arith.maximumf %max3A_79, %sub3A_77 : vector<16xf32>
      %min3A = vector.broadcast %jit3A_78 : f32 to vector<16xf32>
      %min3A_81 = arith.minimumf %min3A, %max3A_80 : vector<16xf32>
      %convert_element_type3A = arith.fptosi %min3A_81 : vector<16xf32> to vector<16xi32>
      tpu.vector_store_idx %arg5[%convert_element_type3A], %broadcast_in_dim3A_59 {add = true} : memref<256xf32, #tpu.memory_space<vmem>>[vector<16xi32>], vector<16xf32>,
    }
    %scan3A_65 = arith.constant 64 : i32
    "tpu.region"() ({
      %run_scoped3A = tpu.sem_alloc : memref<!tpu.dma_semaphore, #tpu.memory_space<semaphore_mem>>
      %dma_start3A = arith.constant 0 : i32
      %dma_start3A_66 = tpu.memref_slice %arg3[%add3A, %dma_start3A] : memref<32x256xf32, #tpu.memory_space<hbm>> -> memref<1x256xf32, #tpu.memory_space<hbm>>
      %dma_start3A_67 = tpu.memref_squeeze %dma_start3A_66 : memref<1x256xf32, #tpu.memory_space<hbm>> -> memref<256xf32, #tpu.memory_space<hbm>>
      %dma_start3A_68 = arith.constant 0 : i32
      %dma_start3A_69 = tpu.memref_slice %arg3[%add3A, %dma_start3A_68] : memref<32x256xf32, #tpu.memory_space<hbm>> -> memref<1x256xf32, #tpu.memory_space<hbm>>
      %dma_start3A_70 = tpu.memref_squeeze %dma_start3A_69 : memref<1x256xf32, #tpu.memory_space<hbm>> -> memref<256xf32, #tpu.memory_space<hbm>>
      tpu.enqueue_dma source(%arg5 : memref<256xf32, #tpu.memory_space<vmem>>) target(%dma_start3A_70 : memref<256xf32, #tpu.memory_space<hbm>>) target_semaphore(%run_scoped3A : memref<!tpu.dma_semaphore, #tpu.memory_space<semaphore_mem>>)
      %dma_wait3A = arith.constant 0 : i32
      %dma_wait3A_71 = tpu.memref_slice %arg3[%add3A, %dma_wait3A] : memref<32x256xf32, #tpu.memory_space<hbm>> -> memref<1x256xf32, #tpu.memory_space<hbm>>
      %dma_wait3A_72 = tpu.memref_squeeze %dma_wait3A_71 : memref<1x256xf32, #tpu.memory_space<hbm>> -> memref<256xf32, #tpu.memory_space<hbm>>
      %dma_wait3A_73 = arith.constant 0 : i32
      %dma_wait3A_74 = tpu.memref_slice %arg3[%add3A, %dma_wait3A_73] : memref<32x256xf32, #tpu.memory_space<hbm>> -> memref<1x256xf32, #tpu.memory_space<hbm>>
      %dma_wait3A_75 = tpu.memref_squeeze %dma_wait3A_74 : memref<1x256xf32, #tpu.memory_space<hbm>> -> memref<256xf32, #tpu.memory_space<hbm>>
      tpu.wait_dma2 semaphore(%run_scoped3A : memref<!tpu.dma_semaphore, #tpu.memory_space<semaphore_mem>>) src(%arg5 : memref<256xf32, #tpu.memory_space<vmem>>) dst(%dma_wait3A_75 : memref<256xf32, #tpu.memory_space<hbm>>)
      tpu.yield
    }) : () -> ()
    return
  }
}

module attributes {stable_mosaic.version = 14 : i64} {
  func.func @_tc_kernel(%arg0: i32, %arg1: memref<32x256xf32, #tpu.memory_space<vmem>>, %arg2: memref<256x4096xf32, #tpu.memory_space<vmem>>, %arg3: memref<8x4096xf32, #tpu.memory_space<vmem>>, %arg4: memref<4x4096xf32, #tpu.memory_space<vmem>>) attributes {dimension_semantics = [#tpu.dimension_semantics<arbitrary>], iteration_bounds = array<i64: 1>, scalar_prefetch = 0 : i64, scratch_operands = 0 : i64, tpu.core_type = #tpu.core_type<tc>, window_params = [{pipeline_mode = #tpu.pipeline_mode<synchronous>, transform_indices = @transform_0, window_bounds = array<i64: 32, 256>}, {transform_indices = @transform_1, window_bounds = array<i64: 256, 4096>}, {transform_indices = @transform_2, window_bounds = array<i64: 8, 4096>}, {pipeline_mode = #tpu.pipeline_mode<synchronous>, transform_indices = @transform_3, window_bounds = array<i64: 4, 4096>}]} {
    %get3A = arith.constant 0 : index
    %get3A_0 = arith.constant 0 : index
    %get3A_1 = vector.load %arg1[%get3A, %get3A_0] : memref<32x256xf32, #tpu.memory_space<vmem>>, vector<32x256xf32>
    %mul3A = arith.constant 6.250000e-02 : f32
    %mul3A_2 = vector.broadcast %mul3A : f32 to vector<32x256xf32>
    %mul3A_3 = arith.mulf %get3A_1, %mul3A_2 : vector<32x256xf32>
    %floor3A = math.floor %mul3A_3 : vector<32x256xf32>
    %mul3A_4 = arith.constant 1.600000e+01 : f32
    %mul3A_5 = vector.broadcast %mul3A_4 : f32 to vector<32x256xf32>
    %mul3A_6 = arith.mulf %floor3A, %mul3A_5 : vector<32x256xf32>
    %sub3A = arith.subf %get3A_1, %mul3A_6 : vector<32x256xf32>
    %get3A_7 = arith.constant 0 : index
    %get3A_8 = arith.constant 0 : index
    %get3A_9 = vector.load %arg2[%get3A_7, %get3A_8] : memref<256x4096xf32, #tpu.memory_space<vmem>>, vector<256x4096xf32>
    %convert_element_type3A = arith.truncf %get3A_9 : vector<256x4096xf32> to vector<256x4096xbf16>
    %convert_element_type3A_10 = arith.truncf %floor3A : vector<32x256xf32> to vector<32x256xbf16>
    %dot_general3A = arith.constant dense<0.000000e+00> : vector<32x4096xf32>
    %dot_general3A_11 = tpu.matmul %convert_element_type3A_10, %convert_element_type3A, %dot_general3A {dimension_numbers = #tpu.dot_dimension_numbers<[1], [0], [0], [1], [0, 0, 1, 1], [], []>, transpose_lhs_hint = false} : vector<32x256xbf16>, vector<256x4096xbf16>, vector<32x4096xf32> -> vector<32x4096xf32>
    %mul3A_12 = arith.constant 1.600000e+01 : f32
    %mul3A_13 = vector.broadcast %mul3A_12 : f32 to vector<32x4096xf32>
    %mul3A_14 = arith.mulf %dot_general3A_11, %mul3A_13 : vector<32x4096xf32>
    %convert_element_type3A_15 = arith.truncf %sub3A : vector<32x256xf32> to vector<32x256xbf16>
    %dot_general3A_16 = arith.constant dense<0.000000e+00> : vector<32x4096xf32>
    %dot_general3A_17 = tpu.matmul %convert_element_type3A_15, %convert_element_type3A, %dot_general3A_16 {dimension_numbers = #tpu.dot_dimension_numbers<[1], [0], [0], [1], [0, 0, 1, 1], [], []>, transpose_lhs_hint = false} : vector<32x256xbf16>, vector<256x4096xbf16>, vector<32x4096xf32> -> vector<32x4096xf32>
    %add3A = arith.addf %mul3A_14, %dot_general3A_17 : vector<32x4096xf32>
    %get3A_18 = arith.constant 0 : index
    %get3A_19 = arith.constant 0 : index
    %get3A_20 = vector.load %arg3[%get3A_18, %get3A_19] : memref<8x4096xf32, #tpu.memory_space<vmem>>, vector<8x4096xf32>
    %concatenate3A = tpu.concatenate %get3A_20, %get3A_20, %get3A_20, %get3A_20 in 0 : vector<8x4096xf32>, vector<8x4096xf32>, vector<8x4096xf32>, vector<8x4096xf32> -> vector<32x4096xf32>
    %mul3A_21 = arith.mulf %add3A, %concatenate3A : vector<32x4096xf32>
    %slice3A = vector.extract_strided_slice %mul3A_21 {offsets = [0, 0], sizes = [8, 4096], strides = [1, 1]} : vector<32x4096xf32> to vector<8x4096xf32>
    %reduce_sum3A = arith.constant dense<0.000000e+00> : vector<4096xf32>
    %reduce_sum3A_22 = vector.multi_reduction <add>, %slice3A, %reduce_sum3A [0] : vector<8x4096xf32> to vector<4096xf32>
    %broadcast_in_dim3A = vector.shape_cast %reduce_sum3A_22 : vector<4096xf32> to vector<1x4096xf32>
    %slice3A_23 = vector.extract_strided_slice %mul3A_21 {offsets = [8, 0], sizes = [8, 4096], strides = [1, 1]} : vector<32x4096xf32> to vector<8x4096xf32>
    %reduce_sum3A_24 = arith.constant dense<0.000000e+00> : vector<4096xf32>
    %reduce_sum3A_25 = vector.multi_reduction <add>, %slice3A_23, %reduce_sum3A_24 [0] : vector<8x4096xf32> to vector<4096xf32>
    %broadcast_in_dim3A_26 = vector.shape_cast %reduce_sum3A_25 : vector<4096xf32> to vector<1x4096xf32>
    %slice3A_27 = vector.extract_strided_slice %mul3A_21 {offsets = [16, 0], sizes = [8, 4096], strides = [1, 1]} : vector<32x4096xf32> to vector<8x4096xf32>
    %reduce_sum3A_28 = arith.constant dense<0.000000e+00> : vector<4096xf32>
    %reduce_sum3A_29 = vector.multi_reduction <add>, %slice3A_27, %reduce_sum3A_28 [0] : vector<8x4096xf32> to vector<4096xf32>
    %broadcast_in_dim3A_30 = vector.shape_cast %reduce_sum3A_29 : vector<4096xf32> to vector<1x4096xf32>
    %slice3A_31 = vector.extract_strided_slice %mul3A_21 {offsets = [24, 0], sizes = [8, 4096], strides = [1, 1]} : vector<32x4096xf32> to vector<8x4096xf32>
    %reduce_sum3A_32 = arith.constant dense<0.000000e+00> : vector<4096xf32>
    %reduce_sum3A_33 = vector.multi_reduction <add>, %slice3A_31, %reduce_sum3A_32 [0] : vector<8x4096xf32> to vector<4096xf32>
    %broadcast_in_dim3A_34 = vector.shape_cast %reduce_sum3A_33 : vector<4096xf32> to vector<1x4096xf32>
    %concatenate3A_35 = tpu.concatenate %broadcast_in_dim3A, %broadcast_in_dim3A_26, %broadcast_in_dim3A_30, %broadcast_in_dim3A_34 in 0 : vector<1x4096xf32>, vector<1x4096xf32>, vector<1x4096xf32>, vector<1x4096xf32> -> vector<4x4096xf32>
    %sign3A = tpu.bitcast %concatenate3A_35 : vector<4x4096xf32> -> vector<4x4096xi32>
    %sign3A_36 = arith.constant -2147483648 : i32
    %sign3A_37 = vector.broadcast %sign3A_36 : i32 to vector<4x4096xi32>
    %sign3A_38 = arith.andi %sign3A, %sign3A_37 : vector<4x4096xi32>
    %sign3A_39 = arith.constant 1065353216 : i32
    %sign3A_40 = vector.broadcast %sign3A_39 : i32 to vector<4x4096xi32>
    %sign3A_41 = arith.ori %sign3A_40, %sign3A_38 : vector<4x4096xi32>
    %sign3A_42 = tpu.bitcast %sign3A_41 : vector<4x4096xi32> -> vector<4x4096xf32>
    %sign3A_43 = math.absf %concatenate3A_35 : vector<4x4096xf32>
    %sign3A_44 = arith.constant 0.000000e+00 : f32
    %sign3A_45 = vector.broadcast %sign3A_44 : f32 to vector<4x4096xf32>
    %sign3A_46 = arith.cmpf ogt, %sign3A_43, %sign3A_45 : vector<4x4096xf32>
    %sign3A_47 = arith.select %sign3A_46, %sign3A_42, %concatenate3A_35 : vector<4x4096xi1>, vector<4x4096xf32>
    %swap3A = arith.constant 0 : index
    %swap3A_48 = arith.constant 0 : index
    %swap3A_49 = vector.load %arg4[%swap3A, %swap3A_48] : memref<4x4096xf32, #tpu.memory_space<vmem>>, vector<4x4096xf32>
    tpu.vector_store %arg4[%swap3A, %swap3A_48], %sign3A_47 {strides = array<i32>} : memref<4x4096xf32, #tpu.memory_space<vmem>>, vector<4x4096xf32>,
    return
  }
  func.func @transform_0(%arg0: i32) -> (i32, i32) {
    %c0_i32 = arith.constant 0 : i32
    %c0_i32_0 = arith.constant 0 : i32
    %c0_i32_1 = arith.constant 0 : i32
    return %c0_i32, %c0_i32_0 : i32, i32
  }
  func.func @transform_1(%arg0: i32) -> (i32, i32) {
    %c0_i32 = arith.constant 0 : i32
    %c0_i32_0 = arith.constant 0 : i32
    %c0_i32_1 = arith.constant 0 : i32
    return %c0_i32, %c0_i32_0 : i32, i32
  }
  func.func @transform_2(%arg0: i32) -> (i32, i32) {
    %c0_i32 = arith.constant 0 : i32
    %c0_i32_0 = arith.constant 0 : i32
    %c0_i32_1 = arith.constant 0 : i32
    return %c0_i32, %c0_i32_0 : i32, i32
  }
  func.func @transform_3(%arg0: i32) -> (i32, i32) {
    %c0_i32 = arith.constant 0 : i32
    %c0_i32_0 = arith.constant 0 : i32
    %c0_i32_1 = arith.constant 0 : i32
    return %c0_i32, %c0_i32_0 : i32, i32
  }
}

</mosaic_0001>

<sc_bundles>
// kernel: kernel.4.cloned.1.call-start
scs
__scs_entry_jumppad:
0x0: {  	(pc) =	sbr.rel $0x88, $3  }
0x1: {  	(tag) =	ssettag $0x0;
	lr =	simm.s32 $0x1  }
0x2: {  	[smem:$0x3F9E] =	sst lr;
	_ =	strace $0xD0000000  }
0x3: {  	_ = 	snop  }
0x4: {  	_ = 	snop  }
0x5: {  	_ = 	snop  }
0x6: {  	_ = 	snop  }
0x7: {  	_ = 	snop  }
__scs_overlays_trampoline_lowered:
0x8: {  	[smem:$0x3FAD] =	sst s0  }
0x9: {  	[smem:$0x3FAE] =	sst s1  }
0xa: {  	[smem:$0x3FAF] =	sst s2  }
0xb: {  	[smem:$0x3FB0] =	sst s3  }
0xc: {  	[smem:$0x3FB1] =	sst s4  }
0xd: {  	[smem:$0x3FB2] =	sst s5  }
0xe: {  	[smem:$0x3FB3] =	sst s6  }
0xf: {  	[smem:$0x3FB4] =	sst s7  }
0x10: {  	[smem:$0x3FB5] =	sst s8  }
0x11: {  	[smem:$0x3FB6] =	sst s9;
	s0 =	simm.s32 @!p0 $0x0  }
0x12: {  	s1 =	sld [smem:$0x3F9C];
	s0 =	simm.s32 @p0 $0x1  }
0x13: {  	[smem:$0x3FB7] =	sst s0;
	s0 =	simm.s32 @!p1 $0x0  }
0x14: {  	s2 =	sld [smem:$0x3F9B];
	s0 =	simm.s32 @p1 $0x1  }
0x15: {  	[smem:$0x3FB8] =	sst s0;
	s0 =	simm.s32 @!p2 $0x0  }
0x16: {  	s3 =	sld [smem:$0x3FDB];
	s0 =	simm.s32 @p2 $0x1  }
0x17: {  	s4 =	simm.s32 $0x1BF5;
	[smem:$0x3FBA] =	sst s0  }
0x18: {  	s0 =	sld [smem:$0x3F9D];
	_ =	swait.ge [sflag:s4], $0x0  }
0x19: {  	s7 =	sld [smem:$0x3F9E]  }
0x1a: {  	s8 =	sadd.s32 $0xFFFFE003, lr  }
0x1b: {  	s9 =	sadd.s32 $0xFFFFFEF7, lr;
	s5 =	simm.s32 $0xFFFFFFFF;
	p2 =	slt.u32 s8, $0xFFFFF086  }
0x1c: {  	p1 =	slt.u32 s9, $0xF7A;
	s5 =	simm.s32 @!p2 $0x0  }
0x1d: {  	s5 =	simm.s32 @p1 $0x1;
	p0 =	seq.s32 s7, s2  }
0x1e: {  	s7 =	smul.u32 @!p0 $0xF7A, s2;
	p2 =	seq.s32 @!p0 s5, $0x0  }
0x1f: {  	s9 =	smul.u32 $0xF7A, s1;
	s8 =	simm.s32 @!p0 $0x1BF5;
	p2 =	por !p2, p0  }
0x20: {  	[sflag:s8] =	ssyncset.s32 @!p0 $0xFFFFF086;
	s6 =	sadd.s32 @!p0 s3, s7;
	s7 =	simm.s32 @!p0 $0x108  }
0x21: {  	s3 =	sadd.s32 s3, s9;
	s6 =	sadd.s32 @!p0 $0x88, s6;
	s7 =	simm.s32 @p2 $0x1082  }
0x22: {  	[simem:s7], [sflag:s8] =	dma.local @!p0 [hbm:s6], $0xF7A  }
0x23: {  	s9 =	sor.u32 $0xD0000000, s2;
	s6 =	simm.s32 $0x108;
	_ =	swait.ge @!p0 [sflag:s8], $0x0  }
0x24: {  	s3 =	sadd.s32 $0x88, s3;
	s6 =	simm.s32 @!p1 $0x1082;
	[sflag:s4] =	ssyncset.s32 $0xFFFFF086  }
0x25: {  	[simem:s6], [sflag:s4] =	dma.local [hbm:s3], $0xF7A  }
0x26: {  	[smem:$0x3F9E] =	sst s1;
	(tag) =	ssettag s2;
	_ =	strace s9  }
0x27: {  	s1 =	sld [smem:$0x3FAE]  }
0x28: {  	s2 =	sld [smem:$0x3FAF]  }
0x29: {  	s4 =	sld [smem:$0x3FB1]  }
0x2a: {  	p0 =	seq.s32 s5, $0x0;
	s5 =	sld [smem:$0x3FB2]  }
0x2b: {  	s6 =	sld [smem:$0x3FB3]  }
0x2c: {  	s7 =	sld [smem:$0x3FB4]  }
0x2d: {  	s3 =	simm.s32 $0x108;
	s8 =	sld [smem:$0x3FB5]  }
0x2e: {  	s3 =	simm.s32 @!p0 $0x1082;
	s9 =	sld [smem:$0x3FB6]  }
0x2f: {  	lr =	sadd.s32 s0, s3;
	s0 =	sld [smem:$0x3FAD]  }
0x30: {  	s3 =	sld [smem:$0x3FB0]  }
0x31: {  	[smem:$0x3FB9] =	sst s10  }
0x32: {  	s10 =	sld [smem:$0x3FB7];
	_ =	sdelay $0x3  }
0x33: {  	p0 =	seq.s32 s10, $0x1;
	s10 =	sld [smem:$0x3FB9];
	_ =	sdelay $0x3  }
0x34: {  	[smem:$0x3FB9] =	sst s10  }
0x35: {  	s10 =	sld [smem:$0x3FB8];
	_ =	sdelay $0x3  }
0x36: {  	p1 =	seq.s32 s10, $0x1;
	s10 =	sld [smem:$0x3FB9];
	_ =	sdelay $0x3  }
0x37: {  	[smem:$0x3FB9] =	sst s10  }
0x38: {  	s10 =	sld [smem:$0x3FBA]  }
0x39: {  	_ = 	snop;
	(pc) =	sbr.ind lr, $3  }
0x3a: {  	_ = 	snop  }
0x3b: {  	_ = 	snop  }
0x3c: {  	p2 =	seq.s32 s10, $0x1;
	s10 =	sld [smem:$0x3FB9]  }
0x3d: {  	_ =	shalt  }
0x3e: {  	_ =	shalt  }
0x3f: {  	_ =	shalt  }
0x40: {  	_ =	shalt  }
0x41: {  	_ =	shalt  }
0x42: {  	_ =	shalt  }
0x43: {  	_ =	shalt  }
0x44: {  	_ =	shalt  }
0x45: {  	_ =	shalt  }
0x46: {  	_ =	shalt  }
0x47: {  	_ =	shalt  }
0x48: {  	_ =	shalt  }
0x49: {  	_ =	shalt  }
0x4a: {  	_ =	shalt  }
0x4b: {  	_ =	shalt  }
0x4c: {  	_ =	shalt  }
0x4d: {  	_ =	shalt  }
0x4e: {  	_ =	shalt  }
0x4f: {  	_ =	shalt  }
0x50: {  	_ =	shalt  }
0x51: {  	_ =	shalt  }
0x52: {  	_ =	shalt  }
0x53: {  	_ =	shalt  }
0x54: {  	_ =	shalt  }
0x55: {  	_ =	shalt  }
0x56: {  	_ =	shalt  }
0x57: {  	_ =	shalt  }
0x58: {  	_ =	shalt  }
0x59: {  	_ =	shalt  }
0x5a: {  	_ =	shalt  }
0x5b: {  	_ =	shalt  }
0x5c: {  	_ =	shalt  }
0x5d: {  	_ =	shalt  }
0x5e: {  	_ =	shalt  }
0x5f: {  	_ =	shalt  }
0x60: {  	_ =	shalt  }
0x61: {  	_ =	shalt  }
0x62: {  	_ =	shalt  }
0x63: {  	_ =	shalt  }
0x64: {  	_ =	shalt  }
0x65: {  	_ =	shalt  }
0x66: {  	_ =	shalt  }
0x67: {  	_ =	shalt  }
0x68: {  	_ =	shalt  }
0x69: {  	_ =	shalt  }
0x6a: {  	_ =	shalt  }
0x6b: {  	_ =	shalt  }
0x6c: {  	_ =	shalt  }
0x6d: {  	_ =	shalt  }
0x6e: {  	_ =	shalt  }
0x6f: {  	_ =	shalt  }
0x70: {  	_ =	shalt  }
0x71: {  	_ =	shalt  }
0x72: {  	_ =	shalt  }
0x73: {  	_ =	shalt  }
0x74: {  	_ =	shalt  }
0x75: {  	_ =	shalt  }
0x76: {  	_ =	shalt  }
0x77: {  	_ =	shalt  }
0x78: {  	_ =	shalt  }
0x79: {  	_ =	shalt  }
0x7a: {  	_ =	shalt  }
0x7b: {  	_ =	shalt  }
0x7c: {  	_ =	shalt  }
0x7d: {  	_ =	shalt  }
0x7e: {  	_ =	shalt  }
0x7f: {  	_ =	shalt  }
0x80: {  	_ =	shalt  }
0x81: {  	_ =	shalt  }
0x82: {  	_ =	shalt  }
0x83: {  	_ =	shalt  }
0x84: {  	_ =	shalt  }
0x85: {  	_ =	shalt  }
0x86: {  	_ =	shalt  }
0x87: {  	_ =	shalt  }
.Lfunc_end0:
.L_simem_size_0:
called_computation_lowered:
.L_overlay_start_0:
0x88: {  	s2 =	sld [smem:$0x3FD9]  }
0x89: {  	s3 =	sld [smem:$0x3FFE];
	_ =	sdelay $0x1  }
0x8a: {  	s1 =	srdreg.scid  }
0x8b: {  	s0 =	sand.u32 $0x1, s1  }
0x8c: {  	s17 =	sshll.u32 s0, $0xA;
	s2 =	sadd.s32 s3, s2  }
0x8d: {  	s2 =	sadd.s32 s2, s17  }
0x8e: {  	[smem:$0x3FC5] =	sst s2  }
0x8f: {  	_ = 	snop  }
0x90: {  	s2 =	sld [smem:$0x3FD0];
	(tm) =	ssettm $0x1  }
0x91: {  	s18 =	sld [smem:$0x3FFB];
	_ =	sdelay $0x3  }
0x92: {  	_ =	strace s18  }
0x93: {  	s3 =	sld [smem:$0x3FFC];
	_ =	sdelay $0x3  }
0x94: {  	_ =	strace s3  }
0x95: {  	s3 =	sld [smem:$0x3FFD];
	_ =	sdelay $0x3  }
0x96: {  	_ =	strace s3  }
0x97: {  	_ =	strace $0x8FFFFFFF  }
0x98: {  	s19 =	sld [smem:$0x3FDB];
	_ =	sdelay $0x1  }
0x99: {  	s4 =	simm.s32 $_scs_section_size  }
0x9a: {  	s5 =	simm.s32 $_size__tile_overlayer_lowered;
	s6 =	simm.s32 $_tile_overlayer_lowered  }
0x9b: {  	s22 =	simm.s32 $0x1BFF;
	s21 =	sshll.u32 s6, $0x1;
	s3 =	sadd.s32 s4, s19  }
0x9c: {  	s7 =	simm.s32 $0x0;
	s20 =	sshll.u32 s5, $0x1;
	s5 =	sadd.s32 s21, s3  }
0x9d: {  	[timem:s7], [sflag:s22] =	dma.local [hbm:s5], s20  }
0x9e: {  	_ =	swait.ge [sflag:s22], s20  }
0x9f: {  	s4 =	ssub.s32 $0x0, s20;
	[sflag:s22] =	ssyncset.done $0x0  }
0xa0: {  	[sflag:s22] =	ssyncadd.s32 s4;
	_ =	sdelay $0x1  }
0xa1: {  	s23 =	simm.s32 $0x1B8B  }
0xa2: {  	_ =	swait.ge [sflag:s23], $0x1  }
0xa3: {  	[sflag:s23] =	ssyncset.done $0x0  }
0xa4: {  	s25 =	simm.s32 $0x1B8E;
	s24 =	sld [smem:$0x3FFE];
	[sflag:s23] =	ssyncadd.s32 $0xFFFFFFFF  }
0xa5: {  	s26 =	simm.s32 $execute0_lowered;
	[smem:$0x3FD2] =	sst s25  }
0xa6: {  	s5 =	sshll.u32 s26, $0x1;
	_ =	strace $0x80000046;
	[dreg:$0x1] =	wrdreg $0xFFFFFFFF  }
0xa7: {  	s28 =	simm.s32 $_size_execute0_lowered;
	s3 =	sadd.s32 s3, s5;
	[dreg:$0x0] =	wrdreg $0x0  }
0xa8: {  	s5 =	sshll.u32 s28, $0x1;
	[dreg:$0x2] =	wrdreg s3  }
0xa9: {  	[dreg:$0x3] =	wrdreg s5  }
0xaa: {  	[dreg:$0x4] =	wrdreg $0xC0  }
0xab: {  	_ =	task [dreg:s7], $0x5FFFF  }
0xac: {  	[dreg:$0x1] =	wrdreg $0xFFFFFFFF  }
0xad: {  	[dreg:$0x0] =	wrdreg $0x60  }
0xae: {  	[dreg:$0x2] =	wrdreg s24  }
0xaf: {  	[dreg:$0x3] =	wrdreg s2  }
0xb0: {  	[dreg:$0x4] =	wrdreg $0x9  }
0xb1: {  	_ =	task.clear_ibuf [dreg:s7], $0x5FFFF;
	_ =	strace $0x90000046  }
0xb2: {  	s29 =	simm.s32 $0x9;
	_ =	strace $0x80000048  }
0xb3: {  	_ =	swait.ge [sflag:s29], $0x1  }
0xb4: {  	[sflag:s29] =	ssyncadd.s32 $0xFFFFFFFF  }
0xb5: {  	_ =	strace $0x90000048  }
0xb6: {  	_ =	sfence  }
0xb7: {  	s30 =	sld [smem:$0x0];
	_ =	sdelay $0x2  }
0xb8: {  	s31 =	sshll.u32 s1, $0xD;
	s1 =	sshrl.u32 s1, $0x2  }
0xb9: {  	s3 =	sand.u32 $0x4000, s31;
	s1 =	sadd.s32 s1, s30  }
0xba: {  	s0 =	sor.u32 s3, s0;
	s1 =	sshll.u32 s1, $0x11  }
0xbb: {  	s0 =	sor.u32 s1, s0  }
0xbc: {  	s0 =	sadd.s32 $0x8F2B, s0  }
0xbd: {  	[sflag:s0] =	ssyncadd.remote.s32 $0x1  }
0xbe: {  	_ =	sfence.sel $0xFFFF  }
0xbf: {  	[dreg:$0x0] =	wrdreg $0xFFFFFFFF;
	(pc) =	sbr.abs _section_cstart, $3  }
0xc0: {  	[dreg:$0x1] =	wrdreg $0xFFFFFFFF  }
0xc1: {  	_ =	task.clear_ibuf [dreg:s7], $0x2FFFF;
	_ =	strace $0x9FFFFFFF  }
0xc2: {  	(tm) =	ssettm $0x7FFFFFFF  }
0xc3: {  	_ =	shalt  }
tec
execute0_lowered:
.L_overlay_start_1:
0x0: {  	(tag) =	ssettag $0x1  }
0x1: {  	s3 =	rddreg [dreg:$0x0]  }
0x2: {  	s4 =	rddreg [dreg:$0x1]  }
0x3: {  	s0 =	rddreg [dreg:$0x2];
	s5 =	srdreg.scid  }
0x4: {  	s1 =	stileid.u32;
	s2 =	simm.s32 $0x0;
	s9 =	simm.s32 $0x0  }
0x5: {  	s5 =	sand.u32 $0x1, s5;
	s6 =	sshll.u32 s1, $0x8;
	s7 =	sshrl.u32 s1, $0x2  }
0x6: {  	[smem:$0x7FF] =	sst s2;
	s8 =	sshll.u32 s5, $0x7;
	s6 =	sand.u32 $0x300, s6  }
0x7: {  	s30 =	sshll.u32 s7, $0xD;
	_ =	strace $0x80000047;
	s5 =	ssub.s32 $0x2, s5  }
0x8: {  	s7 =	sshll.u32 s7, $0xB;
	s6 =	sor.u32 s8, s6;
	s31 =	sshrl.u32 s5, $0x1  }
0x9: {  	s8 =	sor.u32 s30, s6;
	s6 =	sor.u32 s7, s6;
	s5 =	ssub.s32 s5, s31  }
0xa: {  	s7 =	simm.s32 $0x400;
	s8 =	sshrl.u32 s8, $0x3;
	s6 =	sshrl.u32 s6, $0x3  }
0xb: {  	s5 =	smax.u32 s5, $0x1;
	s3 =	sadd.s32 s8, s3;
	s4 =	sadd.s32 s4, s6  }
0xc: {  	v0 =	vimm.f32 $1.000000000e+00;
	s6 =	simm.s32 $0x80;
	s8 =	simm.s32 $0x1;
	s3 =	sadd.s32 $0xA00, s3  }
.LBB2_1:
0xd: {  	[tilespmem:s2], [sflag:$0x1] =	stream.strided.gather [hbm4b:s3+s6], $0x400, s7, s6, $0x38;
	[tilespmem:$0x500] =	vst v63  }
0xe: {  	_ =	swait.ge [sflag:s8], $0x400  }
0xf: {  	[sflag:s8] =	ssyncset.done $0x0  }
0x10: {  	v1 =	vimm.f32 $0.0e+00;
	[sflag:s8] =	ssyncadd.s32 $0xFFFFFC00  }
0x11: {  	[tilespmem:$0x400] =	vst v1  }
0x12: {  	[tilespmem:$0x410] =	vst v1  }
0x13: {  	[tilespmem:$0x420] =	vst v1  }
0x14: {  	[tilespmem:$0x430] =	vst v1  }
0x15: {  	[tilespmem:$0x440] =	vst v1  }
0x16: {  	[tilespmem:$0x450] =	vst v1  }
0x17: {  	[tilespmem:$0x460] =	vst v1  }
0x18: {  	[tilespmem:$0x470] =	vst v1  }
0x19: {  	[tilespmem:$0x480] =	vst v1  }
0x1a: {  	[tilespmem:$0x490] =	vst v1  }
0x1b: {  	[tilespmem:$0x4A0] =	vst v1  }
0x1c: {  	[tilespmem:$0x4B0] =	vst v1  }
0x1d: {  	[tilespmem:$0x4C0] =	vst v1  }
0x1e: {  	[tilespmem:$0x4D0] =	vst v1  }
0x1f: {  	[tilespmem:$0x4E0] =	vst v1  }
0x20: {  	s11 =	simm.s32 $0x0;
	[tilespmem:$0x4F0] =	vst v1  }
0x21: {  	s10 =	simm.s32 $0x40;
	v2 =	vld [tilespmem:s11+$0x0]  }
.LBB2_2:
0x22: {  	p0 =	sne.s32 s10, $0xFC0  }
.Ltmp0:
0x23: {  	_ = 	snop;
	(pc) =	sbr.rel @p0 .LBB2_2-.Ltmp0, $3  }
0x24: {  	_ =	sdelay $0x1  }
0x25: {  	s11 =	sshra.s32 s10, $0x2;
	s10 =	sadd.s32 $0x40, s10;
	v1 =	vmax.f32 v1, v2  }
0x26: {  	v2 =	vld [tilespmem:s11+$0x0]  }
0x27: {  	_ =	sdelay $0x3  }
0x28: {  	v1 =	vmax.f32 v1, v2  }
0x29: {  	(v2sf) =	vpush v1, $0x0  }
0x2a: {  	(v2sf) =	vpush v1, $0x1  }
0x2b: {  	(v2sf) =	vpush v1, $0x2  }
0x2c: {  	(v2sf) =	vpush v1, $0x3  }
0x2d: {  	(v2sf) =	vpush v1, $0x4  }
0x2e: {  	(v2sf) =	vpush v1, $0x5  }
0x2f: {  	(v2sf) =	vpush v1, $0x6  }
0x30: {  	(v2sf) =	vpush v1, $0x7  }
0x31: {  	(v2sf) =	vpush v1, $0x8  }
0x32: {  	(v2sf) =	vpush v1, $0x9  }
0x33: {  	(v2sf) =	vpush v1, $0xA  }
0x34: {  	(v2sf) =	vpush v1, $0xB  }
0x35: {  	(v2sf) =	vpush v1, $0xC  }
0x36: {  	(v2sf) =	vpush v1, $0xD  }
0x37: {  	(v2sf) =	vpush v1, $0xE  }
0x38: {  	s10 =	spop (v2sf);
	(v2sf) =	vpush v1, $0xF  }
0x39: {  	s11 =	spop (v2sf)  }
0x3a: {  	s10 =	smax.f32 s10, s11;
	s17 =	spop (v2sf)  }
0x3b: {  	s10 =	smax.f32 s10, s17;
	s18 =	spop (v2sf)  }
0x3c: {  	s10 =	smax.f32 s10, s18;
	s19 =	spop (v2sf)  }
0x3d: {  	s10 =	smax.f32 s10, s19;
	s20 =	spop (v2sf)  }
0x3e: {  	s10 =	smax.f32 s10, s20;
	s21 =	spop (v2sf)  }
0x3f: {  	s10 =	smax.f32 s10, s21;
	s22 =	spop (v2sf)  }
0x40: {  	s10 =	smax.f32 s10, s22;
	s23 =	spop (v2sf)  }
0x41: {  	s10 =	smax.f32 s10, s23;
	s24 =	spop (v2sf)  }
0x42: {  	s10 =	smax.f32 s10, s24;
	s25 =	spop (v2sf)  }
0x43: {  	s10 =	smax.f32 s10, s25;
	s26 =	spop (v2sf)  }
0x44: {  	s10 =	smax.f32 s10, s26;
	s28 =	spop (v2sf)  }
0x45: {  	s10 =	smax.f32 s10, s28;
	s29 =	spop (v2sf)  }
0x46: {  	s10 =	smax.f32 s10, s29;
	s30 =	spop (v2sf)  }
0x47: {  	s10 =	smax.f32 s10, s30;
	s31 =	spop (v2sf)  }
0x48: {  	s10 =	smax.f32 s10, s31  }
0x49: {  	v1 =	vmov s10  }
0x4a: {  	(erf) = vrcp.f32 v1;
	_ =	sdelay $0x8  }
0x4b: {  	s11 =	simm.s32 $0x0;
	s10 =	simm.s32 $0x40;
	v1 =	vpop (erf)  }
.LBB2_4:
0x4c: {  	p0 =	sne.s32 s10, $0xFC0;
	v2 =	vld [tilespmem:s11+$0x0];
	_ =	sdelay $0x4  }
0x4d: {  	v2 =	vmul.f32 v2, v1;
	_ =	sdelay $0x1  }
0x4e: {  	v2 =	vmul.f32 $2.550000000e+02, v2;
	_ =	sdelay $0x1  }
0x4f: {  	v2 =	vadd.f32 $1.258291200e+07, v2;
	_ =	sdelay $0x1  }
0x50: {  	v2 =	vadd.f32 $-1.258291200e+07, v2;
	_ =	sdelay $0x1  }
0x51: {  	v2 =	vmax.f32 v2, $0.0e+00  }
0x52: {  	v2 =	vmin.f32 v2, $2.550000000e+02  }
0x53: {  	v2 =	vtrunc.f32 v2  }
0x54: {  	v2 =	vcvt.f32.s32 v2;
	_ =	sdelay $0x1  }
.Ltmp1:
0x55: {  	(pc) =	sbr.rel @p0 .LBB2_4-.Ltmp1, $2  }
0x56: {  	_ =	sdelay $0x2  }
0x57: {  	s11 =	sshra.s32 s10, $0x2;
	s10 =	sadd.s32 $0x40, s10;
	[tilespmem:v2+s7+$0x0] =	vst.idx.add.f32.msk $0xffff, v0  }
0x58: {  	v2 =	vld [tilespmem:s11+$0x0];
	_ =	sdelay $0x4  }
0x59: {  	v1 =	vmul.f32 v2, v1;
	_ =	sdelay $0x1  }
0x5a: {  	v1 =	vmul.f32 $2.550000000e+02, v1;
	_ =	sdelay $0x1  }
0x5b: {  	v1 =	vadd.f32 $1.258291200e+07, v1;
	_ =	sdelay $0x1  }
0x5c: {  	v1 =	vadd.f32 $-1.258291200e+07, v1;
	_ =	sdelay $0x1  }
0x5d: {  	v1 =	vmax.f32 v1, $0.0e+00  }
0x5e: {  	v1 =	vmin.f32 v1, $2.550000000e+02  }
0x5f: {  	v1 =	vtrunc.f32 v1  }
0x60: {  	v1 =	vcvt.f32.s32 v1;
	_ =	sdelay $0x3  }
0x61: {  	s9 =	sadd.s32 $0x1, s9  }
0x62: {  	p0 =	sne.s32 s9, s5  }
.Ltmp2:
0x63: {  	[tilespmem:v1+s7+$0x0] =	vst.idx.add.f32.msk $0xffff, v0;
	(pc) =	sbr.rel @p0 .LBB2_1-.Ltmp2, $4  }
0x64: {  	[hbm4b:s4+s6] =	stream.strided.scatter [tilespmem:s7], [sflag:$0x1], $0x100, s7, s6, $0x38;
	[tilespmem:$0x500] =	vst v63  }
0x65: {  	_ =	swait.ge [sflag:s8], $0x100  }
0x66: {  	[sflag:s8] =	ssyncset.done $0x0  }
0x67: {  	[sflag:s8] =	ssyncadd.s32 $0xFFFFFF00  }
0x68: {  	_ =	sfence.sel $0x180000  }
0x69: {  	[bflag:$0x0] =	sbarrier.arrive $0xFFFF  }
0x6a: {  	p0 =	sne.s32 s1, $0x0;
	_ =	strace $0x90000047  }
0x6b: {  	s0 =	sadd.s32 @!p0 $0x100000, s0;
	[bflag:$0x2] =	sbarrier.arrive $0xFFFF  }
0x6c: {  	[sflag:s0] =	ssyncadd.tile.s32 @!p0 $0x1;
	_ =	shalt  }
.Lfunc_end2:
_tile_overlayer_lowered:
.L_overlay_start_2:
0x6d: {  	(tag) =	ssettag $0x2  }
0x6e: {  	s0 =	rddreg [dreg:$0x0];
	s2 =	stileid.u32  }
0x6f: {  	s1 =	rddreg [dreg:$0x1];
	p0 =	sne.s32 s2, $0x0  }
0x70: {  	s3 =	rddreg [dreg:$0x2];
	[bflag:$0x3] =	sbarrier.arrive $0xFFFF;
	s2 =	simm.s32 @!p0 $0x1C01  }
0x71: {  	[timem:s3], [sflag:s2] =	dma.local @!p0 [hbm:s0], s1  }
0x72: {  	s0 =	simm.s32 @!p0 $0x1  }
0x73: {  	_ =	swait.ge @!p0 [sflag:s0], s1  }
0x74: {  	s1 =	ssub.s32 @!p0 $0x0, s1;
	[sflag:s0] =	ssyncset.done @!p0 $0x0  }
0x75: {  	[sflag:s0] =	ssyncadd.s32 @!p0 s1  }
0x76: {  	[bflag:$0x3] =	sbarrier.arrive $0xFFFF  }
0x77: {  	_ =	shalt  }

</sc_bundles>
